<compile_context>
chip_gen: v7x
topology: tpu7x:2x2x1
jax: 0.10.2.dev20260603
libtpu: 0.0.44.dev20260713+nightly
codegen_flags: <defaults>
</compile_context>

<pallas_src>
import functools
import math

import jax
import jax.numpy as jnp
from jax import lax
from jax.experimental import pallas as pl
from jax.experimental.pallas import tpu as pltpu
from jax.experimental.pallas import tpu_sc as plsc

_NUM_CLASSES = 100000
_BATCH = 1024
_SCALE = 64.0
_MARGIN = 0.5
_COS_M = math.cos(_MARGIN)
_SIN_M = math.sin(_MARGIN)
_THRESHOLD = math.cos(math.pi - _MARGIN)
_MM = math.sin(math.pi - _MARGIN) * _MARGIN

_CB = 1024
_NJ = (_NUM_CLASSES + _CB - 1) // _CB

try:
    _info = plsc.get_sparse_core_info()
    _NC, _NS = _info.num_cores, _info.num_subcores
except Exception:
    _NC, _NS = 2, 16
_NW = _NC * _NS
_BPW = _BATCH // _NW


def _f16_roundtrip(x):
    bits = lax.bitcast_convert_type(x, jnp.int32)
    rb = (bits + 0xFFF + ((bits >> 13) & 1)) & ~0x1FFF
    normal = lax.bitcast_convert_type(rb, jnp.float32)
    half = jnp.float32(0.5)
    mag = jnp.abs(x)
    magq = (mag + half) - half
    sub = jnp.where(x < 0, -magq, magq)
    return jnp.where(mag < jnp.float32(2.0 ** -14), sub, normal)


def _sc_gather(flat, idx):
    mesh = plsc.VectorSubcoreMesh(core_axis_name="c", subcore_axis_name="s")

    @functools.partial(
        pl.kernel,
        mesh=mesh,
        out_type=jax.ShapeDtypeStruct((_BATCH,), jnp.float32),
        scratch_types=[
            pltpu.VMEM((_BPW,), jnp.int32),
            pltpu.VMEM((_BPW,), jnp.float32),
            pltpu.SemaphoreType.DMA,
        ],
    )
    def k(flat_hbm, idx_hbm, out_hbm, idx_v, vals_v, sem):
        wid = lax.axis_index("s") * _NC + lax.axis_index("c")
        base = wid * _BPW
        pltpu.sync_copy(idx_hbm.at[pl.ds(base, _BPW)], idx_v)
        pltpu.async_copy(flat_hbm.at[idx_v], vals_v, sem).wait()
        pltpu.sync_copy(vals_v, out_hbm.at[pl.ds(base, _BPW)])

    return k(flat, idx)


def _prologue_body(tl_ref, t_ref, ctm_ref, ftl_ref, th_ref):
    tl = jnp.clip(tl_ref[...], -1.0, 1.0)
    t_new = jnp.mean(tl) * 0.001 + (1.0 - 0.001) * t_ref[0]
    t_new11 = jnp.full((1, 1), t_new, jnp.float32)
    sin_t = jnp.sqrt(1.0 - tl * tl)
    ctm = tl * _COS_M - sin_t * _SIN_M
    ftl = jnp.where(tl > _THRESHOLD, ctm, tl - _MM)
    ctm_ref[...] = ctm
    ftl_ref[...] = _f16_roundtrip(ftl) * _SCALE
    th_ref[...] = _f16_roundtrip(t_new11)


def _prologue(tl2d, t1):
    return pl.pallas_call(
        _prologue_body,
        in_specs=[
            pl.BlockSpec((_BATCH, 1), lambda: (0, 0)),
            pl.BlockSpec(memory_space=pltpu.SMEM),
        ],
        out_specs=[
            pl.BlockSpec((_BATCH, 1), lambda: (0, 0)),
            pl.BlockSpec((_BATCH, 1), lambda: (0, 0)),
            pl.BlockSpec((1, 1), lambda: (0, 0)),
        ],
        out_shape=[
            jax.ShapeDtypeStruct((_BATCH, 1), jnp.float32),
            jax.ShapeDtypeStruct((_BATCH, 1), jnp.float32),
            jax.ShapeDtypeStruct((1, 1), jnp.float32),
        ],
    )(tl2d, t1)


def _stream_body(ct_ref, ctm_ref, ftl_ref, lbl_ref, th_ref, out_ref):
    j = pl.program_id(0)
    ct = jnp.clip(ct_ref[...], -1.0, 1.0)
    val = jnp.where(ct > ctm_ref[...], ct * (th_ref[...] + ct), ct) * _SCALE
    col = j * _CB + lax.broadcasted_iota(jnp.int32, ct.shape, 1)
    out_ref[...] = jnp.where(col == lbl_ref[...], ftl_ref[...], val)


def _stream(cos_theta, ctm, ftl, label2d, th):
    return pl.pallas_call(
        _stream_body,
        grid=(_NJ,),
        in_specs=[
            pl.BlockSpec((_BATCH, _CB), lambda j: (0, j)),
            pl.BlockSpec((_BATCH, 1), lambda j: (0, 0)),
            pl.BlockSpec((_BATCH, 1), lambda j: (0, 0)),
            pl.BlockSpec((_BATCH, 1), lambda j: (0, 0)),
            pl.BlockSpec((1, 1), lambda j: (0, 0)),
        ],
        out_specs=pl.BlockSpec((_BATCH, _CB), lambda j: (0, j)),
        out_shape=jax.ShapeDtypeStruct((_BATCH, _NUM_CLASSES), jnp.float32),
    )(cos_theta, ctm, ftl, label2d, th)


def kernel(cos_theta, label, t):
    flat = cos_theta.reshape(-1)
    idx = jnp.arange(_BATCH, dtype=jnp.int32) * _NUM_CLASSES + label
    tl = _sc_gather(flat, idx)
    ctm, ftl, th = _prologue(tl.reshape(_BATCH, 1), t.reshape(1))
    return _stream(cos_theta, ctm, ftl, label.reshape(_BATCH, 1), th)

# --- scband reference (transcript-rebuilt; emitter-appended) ---
"""Pipeline reference for scband-curricular-softmax-50294067036576 (READ-ONLY COPY).

The authoritative reference and input builder live on the scoring server;
editing this copy changes nothing except your own understanding.
"""

import jax, jax.numpy as jnp
import numpy as np
import math

NUM_CLASSES = 100000
BATCH = 1024
SCALE = 64.0
MARGIN = 0.5
COS_M = math.cos(MARGIN)
SIN_M = math.sin(MARGIN)
THRESHOLD = math.cos(math.pi - MARGIN)
MM = math.sin(math.pi - MARGIN) * MARGIN


def setup_inputs(seed: int = 0) -> dict:
    key = jax.random.key(seed)
    k1, k2 = jax.random.split(key)
    cos_theta = jax.random.uniform(k1, (BATCH, NUM_CLASSES), dtype=jnp.float32, minval=-1.0, maxval=1.0)
    label = jax.random.randint(k2, (BATCH,), 0, NUM_CLASSES, dtype=jnp.int32)
    # running statistic buffer self.t (initialized to 0, as in the standard CurricularFace impl)
    t = jnp.zeros((), dtype=jnp.float32)
    return {"cos_theta": cos_theta, "label": label, "t": t}


def reference(cos_theta, label, t):
    ct = jnp.clip(cos_theta, -1.0, 1.0)
    B = ct.shape[0]
    rows = jnp.arange(B)
    # target_logit = cos_theta[arange(B), label].view(-1, 1)
    target_logit = ct[rows, label][:, None]
    sin_theta = jnp.sqrt(1.0 - target_logit ** 2)
    cos_theta_m = target_logit * COS_M - sin_theta * SIN_M
    mask = ct > cos_theta_m
    final_target_logit = jnp.where(target_logit > THRESHOLD, cos_theta_m, target_logit - MM)
    # with torch.no_grad(): t update
    t_new = jax.lax.stop_gradient(jnp.mean(target_logit) * 0.001 + (1.0 - 0.001) * t)
    # t.half() round-trip to mimic the fp16 cast in the original code
    t_h = t_new.astype(jnp.float16).astype(jnp.float32)
    # cos_theta[mask] = hard_example * (t + hard_example)
    ct = jnp.where(mask, ct * (t_h + ct), ct)
    # scatter_(1, label, final_target_logit.half())
    ftl_h = final_target_logit[:, 0].astype(jnp.float16).astype(jnp.float32)
    ct = ct.at[rows, label].set(ftl_h)
    output = ct * SCALE
    return output

if __name__ == "__main__":
    import jax
    _d = setup_inputs()
    print(jax.jit(kernel)(*tuple(_d.values())))

</pallas_src>

<mosaic_0001>
#map = affine_map<(d0, d1) -> (0)>
module attributes {stable_mosaic.version = 14 : i64} {
  func.func @k(%arg0: i32, %arg1: i32, %arg2: memref<102400000xf32, #tpu.memory_space<hbm>>, %arg3: memref<1024xi32, #tpu.memory_space<hbm>>, %arg4: memref<1024xf32, #tpu.memory_space<hbm>>, %arg5: memref<32xi32, #tpu.memory_space<vmem>>, %arg6: memref<32xf32, #tpu.memory_space<vmem>>, %arg7: memref<!tpu.dma_semaphore, #tpu.memory_space<semaphore_mem>>) attributes {dimension_semantics = [#tpu.dimension_semantics<core_parallel>, #tpu.dimension_semantics<subcore_parallel>], iteration_bounds = array<i64: 2, 16>, scalar_prefetch = 0 : i64, scratch_operands = 3 : i64, tpu.core_type = #tpu.core_type<sc_vector_subcore>, window_params = [{transform_indices = #map}, {transform_indices = #map}, {transform_indices = #map}]} {
    %mul3A = arith.constant 2 : i32
    %mul3A_0 = arith.muli %arg1, %mul3A : i32
    %add3A = arith.addi %mul3A_0, %arg0 : i32
    %mul3A_1 = arith.constant 32 : i32
    %mul3A_2 = arith.muli %add3A, %mul3A_1 : i32
    "tpu.region"() ({
      %run_scoped3A = tpu.sem_alloc : memref<!tpu.dma_semaphore, #tpu.memory_space<semaphore_mem>>
      %dma_start3A_5 = tpu.memref_slice %arg3[%mul3A_2] : memref<1024xi32, #tpu.memory_space<hbm>> -> memref<32xi32, #tpu.memory_space<hbm>>
      %dma_start3A_6 = tpu.memref_slice %arg3[%mul3A_2] : memref<1024xi32, #tpu.memory_space<hbm>> -> memref<32xi32, #tpu.memory_space<hbm>>
      tpu.enqueue_dma source(%dma_start3A_6 : memref<32xi32, #tpu.memory_space<hbm>>) target(%arg5 : memref<32xi32, #tpu.memory_space<vmem>>) target_semaphore(%run_scoped3A : memref<!tpu.dma_semaphore, #tpu.memory_space<semaphore_mem>>)
      %dma_wait3A_7 = tpu.memref_slice %arg3[%mul3A_2] : memref<1024xi32, #tpu.memory_space<hbm>> -> memref<32xi32, #tpu.memory_space<hbm>>
      %dma_wait3A_8 = tpu.memref_slice %arg3[%mul3A_2] : memref<1024xi32, #tpu.memory_space<hbm>> -> memref<32xi32, #tpu.memory_space<hbm>>
      tpu.wait_dma2 semaphore(%run_scoped3A : memref<!tpu.dma_semaphore, #tpu.memory_space<semaphore_mem>>) src(%dma_wait3A_8 : memref<32xi32, #tpu.memory_space<hbm>>) dst(%arg5 : memref<32xi32, #tpu.memory_space<vmem>>)
      tpu.yield
    }) : () -> ()
    %dma_start3A = arith.constant 0 : i32
    %dma_start3A_3 = tpu.memref_slice %arg2[%dma_start3A] : memref<102400000xf32, #tpu.memory_space<hbm>> -> memref<102400000xf32, #tpu.memory_space<hbm>>
    tpu.enqueue_indirect_dma source(%dma_start3A_3 : memref<102400000xf32, #tpu.memory_space<hbm>>) target(%arg6 : memref<32xf32, #tpu.memory_space<vmem>>) offsets(%arg5 : memref<32xi32, #tpu.memory_space<vmem>>) semaphore(%arg7 : memref<!tpu.dma_semaphore, #tpu.memory_space<semaphore_mem>>)
    %dma_wait3A = arith.constant 0 : i32
    %dma_wait3A_4 = tpu.memref_slice %arg2[%dma_wait3A] : memref<102400000xf32, #tpu.memory_space<hbm>> -> memref<102400000xf32, #tpu.memory_space<hbm>>
    tpu.wait_indirect_dma semaphore(%arg7 : memref<!tpu.dma_semaphore, #tpu.memory_space<semaphore_mem>>) src(%dma_wait3A_4 : memref<102400000xf32, #tpu.memory_space<hbm>>) dst(%arg6 : memref<32xf32, #tpu.memory_space<vmem>>)
    "tpu.region"() ({
      %run_scoped3A = tpu.sem_alloc : memref<!tpu.dma_semaphore, #tpu.memory_space<semaphore_mem>>
      %dma_start3A_5 = tpu.memref_slice %arg4[%mul3A_2] : memref<1024xf32, #tpu.memory_space<hbm>> -> memref<32xf32, #tpu.memory_space<hbm>>
      %dma_start3A_6 = tpu.memref_slice %arg4[%mul3A_2] : memref<1024xf32, #tpu.memory_space<hbm>> -> memref<32xf32, #tpu.memory_space<hbm>>
      tpu.enqueue_dma source(%arg6 : memref<32xf32, #tpu.memory_space<vmem>>) target(%dma_start3A_6 : memref<32xf32, #tpu.memory_space<hbm>>) target_semaphore(%run_scoped3A : memref<!tpu.dma_semaphore, #tpu.memory_space<semaphore_mem>>)
      %dma_wait3A_7 = tpu.memref_slice %arg4[%mul3A_2] : memref<1024xf32, #tpu.memory_space<hbm>> -> memref<32xf32, #tpu.memory_space<hbm>>
      %dma_wait3A_8 = tpu.memref_slice %arg4[%mul3A_2] : memref<1024xf32, #tpu.memory_space<hbm>> -> memref<32xf32, #tpu.memory_space<hbm>>
      tpu.wait_dma2 semaphore(%run_scoped3A : memref<!tpu.dma_semaphore, #tpu.memory_space<semaphore_mem>>) src(%arg6 : memref<32xf32, #tpu.memory_space<vmem>>) dst(%dma_wait3A_8 : memref<32xf32, #tpu.memory_space<hbm>>)
      tpu.yield
    }) : () -> ()
    return
  }
}

module attributes {stable_mosaic.version = 14 : i64} {
  func.func @_stream_body(%arg0: i32, %arg1: memref<1024x1024xf32, #tpu.memory_space<vmem>>, %arg2: memref<1024x1xf32, #tpu.memory_space<vmem>>, %arg3: memref<1024x1xf32, #tpu.memory_space<vmem>>, %arg4: memref<1024x1xi32, #tpu.memory_space<vmem>>, %arg5: memref<1x1xf32, #tpu.memory_space<vmem>>, %arg6: memref<1024x1024xf32, #tpu.memory_space<vmem>>) attributes {dimension_semantics = [#tpu.dimension_semantics<arbitrary>], iteration_bounds = array<i64: 98>, scalar_prefetch = 0 : i64, scratch_operands = 0 : i64, tpu.core_type = #tpu.core_type<tc>, window_params = [{transform_indices = @transform_0, window_bounds = array<i64: 1024, 1024>}, {pipeline_mode = #tpu.pipeline_mode<synchronous>, transform_indices = @transform_1, window_bounds = array<i64: 1024, 1>}, {pipeline_mode = #tpu.pipeline_mode<synchronous>, transform_indices = @transform_2, window_bounds = array<i64: 1024, 1>}, {pipeline_mode = #tpu.pipeline_mode<synchronous>, transform_indices = @transform_3, window_bounds = array<i64: 1024, 1>}, {pipeline_mode = #tpu.pipeline_mode<synchronous>, transform_indices = @transform_4, window_bounds = array<i64: 1, 1>}, {transform_indices = @transform_5, window_bounds = array<i64: 1024, 1024>}]} {
    %get3A = arith.constant 0 : index
    %get3A_0 = arith.constant 0 : index
    %get3A_1 = vector.load %arg1[%get3A, %get3A_0] : memref<1024x1024xf32, #tpu.memory_space<vmem>>, vector<1024x1024xf32>
    %jit3A = arith.constant -1.000000e+00 : f32
    %jit3A_2 = arith.constant 1.000000e+00 : f32
    %max3A = vector.broadcast %jit3A : f32 to vector<1024x1024xf32>
    %max3A_3 = arith.maximumf %max3A, %get3A_1 : vector<1024x1024xf32>
    %min3A = vector.broadcast %jit3A_2 : f32 to vector<1024x1024xf32>
    %min3A_4 = arith.minimumf %min3A, %max3A_3 : vector<1024x1024xf32>
    %get3A_5 = arith.constant 0 : index
    %get3A_6 = arith.constant 0 : index
    %get3A_7 = vector.load %arg2[%get3A_5, %get3A_6] : memref<1024x1xf32, #tpu.memory_space<vmem>>, vector<1024x1xf32>
    %gt3A = vector.broadcast %get3A_7 : vector<1024x1xf32> to vector<1024x1024xf32>
    %gt3A_8 = arith.cmpf ogt, %min3A_4, %gt3A : vector<1024x1024xf32>
    %get3A_9 = arith.constant 0 : index
    %get3A_10 = arith.constant 0 : index
    %get3A_11 = vector.load %arg5[%get3A_9, %get3A_10] : memref<1x1xf32, #tpu.memory_space<vmem>>, vector<1x1xf32>
    %add3A = vector.broadcast %get3A_11 : vector<1x1xf32> to vector<1024x1024xf32>
    %add3A_12 = arith.addf %add3A, %min3A_4 : vector<1024x1024xf32>
    %mul3A = arith.mulf %min3A_4, %add3A_12 : vector<1024x1024xf32>
    %select_n3A = arith.select %gt3A_8, %mul3A, %min3A_4 : vector<1024x1024xi1>, vector<1024x1024xf32>
    %mul3A_13 = arith.constant 6.400000e+01 : f32
    %mul3A_14 = vector.broadcast %mul3A_13 : f32 to vector<1024x1024xf32>
    %mul3A_15 = arith.mulf %select_n3A, %mul3A_14 : vector<1024x1024xf32>
    %mul3A_16 = arith.constant 1024 : i32
    %mul3A_17 = arith.muli %arg0, %mul3A_16 : i32
    %iota3A = tpu.iota {dimensions = array<i32: 1>} : vector<1024x1024xi32>
    %add3A_18 = vector.broadcast %mul3A_17 : i32 to vector<1024x1024xi32>
    %add3A_19 = arith.addi %add3A_18, %iota3A : vector<1024x1024xi32>
    %get3A_20 = arith.constant 0 : index
    %get3A_21 = arith.constant 0 : index
    %get3A_22 = vector.load %arg4[%get3A_20, %get3A_21] : memref<1024x1xi32, #tpu.memory_space<vmem>>, vector<1024x1xi32>
    %eq3A = vector.broadcast %get3A_22 : vector<1024x1xi32> to vector<1024x1024xi32>
    %eq3A_23 = arith.cmpi eq, %add3A_19, %eq3A : vector<1024x1024xi32>
    %get3A_24 = arith.constant 0 : index
    %get3A_25 = arith.constant 0 : index
    %get3A_26 = vector.load %arg3[%get3A_24, %get3A_25] : memref<1024x1xf32, #tpu.memory_space<vmem>>, vector<1024x1xf32>
    %broadcast_in_dim3A = vector.shape_cast %get3A_26 : vector<1024x1xf32> to vector<1024x1xf32>
    %broadcast_in_dim3A_27 = vector.broadcast %broadcast_in_dim3A : vector<1024x1xf32> to vector<1024x1024xf32>
    %select_n3A_28 = arith.select %eq3A_23, %broadcast_in_dim3A_27, %mul3A_15 : vector<1024x1024xi1>, vector<1024x1024xf32>
    %swap3A = arith.constant 0 : index
    %swap3A_29 = arith.constant 0 : index
    %swap3A_30 = vector.load %arg6[%swap3A, %swap3A_29] : memref<1024x1024xf32, #tpu.memory_space<vmem>>, vector<1024x1024xf32>
    tpu.vector_store %arg6[%swap3A, %swap3A_29], %select_n3A_28 {strides = array<i32>} : memref<1024x1024xf32, #tpu.memory_space<vmem>>, vector<1024x1024xf32>,
    return
  }
  func.func @transform_0(%arg0: i32) -> (i32, i32) {
    %c0_i32 = arith.constant 0 : i32
    %c0_i32_0 = arith.constant 0 : i32
    return %c0_i32, %arg0 : i32, i32
  }
  func.func @transform_1(%arg0: i32) -> (i32, i32) {
    %c0_i32 = arith.constant 0 : i32
    %c0_i32_0 = arith.constant 0 : i32
    %c0_i32_1 = arith.constant 0 : i32
    return %c0_i32, %c0_i32_0 : i32, i32
  }
  func.func @transform_2(%arg0: i32) -> (i32, i32) {
    %c0_i32 = arith.constant 0 : i32
    %c0_i32_0 = arith.constant 0 : i32
    %c0_i32_1 = arith.constant 0 : i32
    return %c0_i32, %c0_i32_0 : i32, i32
  }
  func.func @transform_3(%arg0: i32) -> (i32, i32) {
    %c0_i32 = arith.constant 0 : i32
    %c0_i32_0 = arith.constant 0 : i32
    %c0_i32_1 = arith.constant 0 : i32
    return %c0_i32, %c0_i32_0 : i32, i32
  }
  func.func @transform_4(%arg0: i32) -> (i32, i32) {
    %c0_i32 = arith.constant 0 : i32
    %c0_i32_0 = arith.constant 0 : i32
    %c0_i32_1 = arith.constant 0 : i32
    return %c0_i32, %c0_i32_0 : i32, i32
  }
  func.func @transform_5(%arg0: i32) -> (i32, i32) {
    %c0_i32 = arith.constant 0 : i32
    %c0_i32_0 = arith.constant 0 : i32
    return %c0_i32, %arg0 : i32, i32
  }
}

module attributes {stable_mosaic.version = 14 : i64} {
  func.func @_prologue_body(%arg0: memref<1024x1xf32, #tpu.memory_space<vmem>>, %arg1: memref<1xf32, #tpu.memory_space<smem>>, %arg2: memref<1024x1xf32, #tpu.memory_space<vmem>>, %arg3: memref<1024x1xf32, #tpu.memory_space<vmem>>, %arg4: memref<1x1xf32, #tpu.memory_space<vmem>>) attributes {dimension_semantics = [], scalar_prefetch = 0 : i64, scratch_operands = 0 : i64, tpu.core_type = #tpu.core_type<tc>} {
    %get3A = arith.constant 0 : index
    %get3A_0 = arith.constant 0 : index
    %get3A_1 = vector.load %arg0[%get3A, %get3A_0] : memref<1024x1xf32, #tpu.memory_space<vmem>>, vector<1024x1xf32>
    %jit3A = arith.constant -1.000000e+00 : f32
    %jit3A_2 = arith.constant 1.000000e+00 : f32
    %max3A = vector.broadcast %jit3A : f32 to vector<1024x1xf32>
    %max3A_3 = arith.maximumf %max3A, %get3A_1 : vector<1024x1xf32>
    %min3A = vector.broadcast %jit3A_2 : f32 to vector<1024x1xf32>
    %min3A_4 = arith.minimumf %min3A, %max3A_3 : vector<1024x1xf32>
    %reduce_sum3A = vector.shape_cast %min3A_4 : vector<1024x1xf32> to vector<1x1024x1xf32>
    %reduce_sum3A_5 = arith.constant dense<0.000000e+00> : vector<1xf32>
    %reduce_sum3A_6 = vector.multi_reduction <add>, %reduce_sum3A, %reduce_sum3A_5 [1, 2] : vector<1x1024x1xf32> to vector<1xf32>
    %reduce_sum3A_7 = vector.shape_cast %reduce_sum3A_6 : vector<1xf32> to vector<1x1x1xf32>
    %reduce_sum3A_8 = vector.extract %reduce_sum3A_7[0, 0, 0] : f32 from vector<1x1x1xf32>
    %div3A = arith.constant 1.024000e+03 : f32
    %div3A_9 = arith.divf %reduce_sum3A_8, %div3A : f32
    %mul3A = arith.constant 1.000000e-03 : f32
    %mul3A_10 = arith.mulf %div3A_9, %mul3A : f32
    %get3A_11 = arith.constant 0 : index
    %get3A_12 = memref.load %arg1[%get3A_11] : memref<1xf32, #tpu.memory_space<smem>>
    %mul3A_13 = arith.constant 9.990000e-01 : f32
    %mul3A_14 = arith.mulf %mul3A_13, %get3A_12 : f32
    %add3A = arith.addf %mul3A_10, %mul3A_14 : f32
    %broadcast_in_dim3A = vector.broadcast %add3A : f32 to vector<1x1xf32>
    %mul3A_15 = arith.mulf %min3A_4, %min3A_4 : vector<1024x1xf32>
    %sub3A = arith.constant 1.000000e+00 : f32
    %sub3A_16 = vector.broadcast %sub3A : f32 to vector<1024x1xf32>
    %sub3A_17 = arith.subf %sub3A_16, %mul3A_15 : vector<1024x1xf32>
    %sqrt3A = math.sqrt %sub3A_17 : vector<1024x1xf32>
    %mul3A_18 = arith.constant 0.87758255 : f32
    %mul3A_19 = vector.broadcast %mul3A_18 : f32 to vector<1024x1xf32>
    %mul3A_20 = arith.mulf %min3A_4, %mul3A_19 : vector<1024x1xf32>
    %mul3A_21 = arith.constant 0.47942555 : f32
    %mul3A_22 = vector.broadcast %mul3A_21 : f32 to vector<1024x1xf32>
    %mul3A_23 = arith.mulf %sqrt3A, %mul3A_22 : vector<1024x1xf32>
    %sub3A_24 = arith.subf %mul3A_20, %mul3A_23 : vector<1024x1xf32>
    %gt3A = arith.constant -0.87758255 : f32
    %gt3A_25 = vector.broadcast %gt3A : f32 to vector<1024x1xf32>
    %gt3A_26 = arith.cmpf ogt, %min3A_4, %gt3A_25 : vector<1024x1xf32>
    %sub3A_27 = arith.constant 0.239712775 : f32
    %sub3A_28 = vector.broadcast %sub3A_27 : f32 to vector<1024x1xf32>
    %sub3A_29 = arith.subf %min3A_4, %sub3A_28 : vector<1024x1xf32>
    %select_n3A = arith.select %gt3A_26, %sub3A_24, %sub3A_29 : vector<1024x1xi1>, vector<1024x1xf32>
    %swap3A = arith.constant 0 : index
    %swap3A_30 = arith.constant 0 : index
    %swap3A_31 = vector.load %arg2[%swap3A, %swap3A_30] : memref<1024x1xf32, #tpu.memory_space<vmem>>, vector<1024x1xf32>
    tpu.vector_store %arg2[%swap3A, %swap3A_30], %sub3A_24 {strides = array<i32>} : memref<1024x1xf32, #tpu.memory_space<vmem>>, vector<1024x1xf32>,
    %bitcast_convert_type3A = tpu.bitcast %select_n3A : vector<1024x1xf32> -> vector<1024x1xi32>
    %add3A_32 = arith.constant 4095 : i32
    %add3A_33 = vector.broadcast %add3A_32 : i32 to vector<1024x1xi32>
    %add3A_34 = arith.addi %bitcast_convert_type3A, %add3A_33 : vector<1024x1xi32>
    %shift_right_arithmetic3A = arith.constant 13 : i32
    %shift_right_arithmetic3A_35 = vector.broadcast %shift_right_arithmetic3A : i32 to vector<1024x1xi32>
    %shift_right_arithmetic3A_36 = arith.shrsi %bitcast_convert_type3A, %shift_right_arithmetic3A_35 : vector<1024x1xi32>
    %and3A = arith.constant 1 : i32
    %and3A_37 = vector.broadcast %and3A : i32 to vector<1024x1xi32>
    %and3A_38 = arith.andi %shift_right_arithmetic3A_36, %and3A_37 : vector<1024x1xi32>
    %add3A_39 = arith.addi %add3A_34, %and3A_38 : vector<1024x1xi32>
    %and3A_40 = arith.constant -8192 : i32
    %and3A_41 = vector.broadcast %and3A_40 : i32 to vector<1024x1xi32>
    %and3A_42 = arith.andi %add3A_39, %and3A_41 : vector<1024x1xi32>
    %bitcast_convert_type3A_43 = tpu.bitcast %and3A_42 : vector<1024x1xi32> -> vector<1024x1xf32>
    %abs3A = math.absf %select_n3A : vector<1024x1xf32>
    %add3A_44 = arith.constant 5.000000e-01 : f32
    %add3A_45 = vector.broadcast %add3A_44 : f32 to vector<1024x1xf32>
    %add3A_46 = arith.addf %abs3A, %add3A_45 : vector<1024x1xf32>
    %sub3A_47 = arith.constant 5.000000e-01 : f32
    %sub3A_48 = vector.broadcast %sub3A_47 : f32 to vector<1024x1xf32>
    %sub3A_49 = arith.subf %add3A_46, %sub3A_48 : vector<1024x1xf32>
    %lt3A = arith.constant 0.000000e+00 : f32
    %lt3A_50 = vector.broadcast %lt3A : f32 to vector<1024x1xf32>
    %lt3A_51 = arith.cmpf olt, %select_n3A, %lt3A_50 : vector<1024x1xf32>
    %neg3A = arith.constant 0.000000e+00 : f32
    %neg3A_52 = vector.broadcast %neg3A : f32 to vector<1024x1xf32>
    %neg3A_53 = arith.subf %neg3A_52, %sub3A_49 : vector<1024x1xf32>
    %select_n3A_54 = arith.select %lt3A_51, %neg3A_53, %sub3A_49 : vector<1024x1xi1>, vector<1024x1xf32>
    %lt3A_55 = arith.constant 6.10351563E-5 : f32
    %lt3A_56 = vector.broadcast %lt3A_55 : f32 to vector<1024x1xf32>
    %lt3A_57 = arith.cmpf olt, %abs3A, %lt3A_56 : vector<1024x1xf32>
    %select_n3A_58 = arith.select %lt3A_57, %select_n3A_54, %bitcast_convert_type3A_43 : vector<1024x1xi1>, vector<1024x1xf32>
    %mul3A_59 = arith.constant 6.400000e+01 : f32
    %mul3A_60 = vector.broadcast %mul3A_59 : f32 to vector<1024x1xf32>
    %mul3A_61 = arith.mulf %select_n3A_58, %mul3A_60 : vector<1024x1xf32>
    %swap3A_62 = arith.constant 0 : index
    %swap3A_63 = arith.constant 0 : index
    %swap3A_64 = vector.load %arg3[%swap3A_62, %swap3A_63] : memref<1024x1xf32, #tpu.memory_space<vmem>>, vector<1024x1xf32>
    tpu.vector_store %arg3[%swap3A_62, %swap3A_63], %mul3A_61 {strides = array<i32>} : memref<1024x1xf32, #tpu.memory_space<vmem>>, vector<1024x1xf32>,
    %bitcast_convert_type3A_65 = tpu.bitcast %broadcast_in_dim3A : vector<1x1xf32> -> vector<1x1xi32>
    %add3A_66 = arith.constant 4095 : i32
    %add3A_67 = vector.broadcast %add3A_66 : i32 to vector<1x1xi32>
    %add3A_68 = arith.addi %bitcast_convert_type3A_65, %add3A_67 : vector<1x1xi32>
    %shift_right_arithmetic3A_69 = arith.constant 13 : i32
    %shift_right_arithmetic3A_70 = vector.broadcast %shift_right_arithmetic3A_69 : i32 to vector<1x1xi32>
    %shift_right_arithmetic3A_71 = arith.shrsi %bitcast_convert_type3A_65, %shift_right_arithmetic3A_70 : vector<1x1xi32>
    %and3A_72 = arith.constant 1 : i32
    %and3A_73 = vector.broadcast %and3A_72 : i32 to vector<1x1xi32>
    %and3A_74 = arith.andi %shift_right_arithmetic3A_71, %and3A_73 : vector<1x1xi32>
    %add3A_75 = arith.addi %add3A_68, %and3A_74 : vector<1x1xi32>
    %and3A_76 = arith.constant -8192 : i32
    %and3A_77 = vector.broadcast %and3A_76 : i32 to vector<1x1xi32>
    %and3A_78 = arith.andi %add3A_75, %and3A_77 : vector<1x1xi32>
    %bitcast_convert_type3A_79 = tpu.bitcast %and3A_78 : vector<1x1xi32> -> vector<1x1xf32>
    %abs3A_80 = math.absf %broadcast_in_dim3A : vector<1x1xf32>
    %add3A_81 = arith.constant 5.000000e-01 : f32
    %add3A_82 = vector.broadcast %add3A_81 : f32 to vector<1x1xf32>
    %add3A_83 = arith.addf %abs3A_80, %add3A_82 : vector<1x1xf32>
    %sub3A_84 = arith.constant 5.000000e-01 : f32
    %sub3A_85 = vector.broadcast %sub3A_84 : f32 to vector<1x1xf32>
    %sub3A_86 = arith.subf %add3A_83, %sub3A_85 : vector<1x1xf32>
    %lt3A_87 = arith.constant 0.000000e+00 : f32
    %lt3A_88 = vector.broadcast %lt3A_87 : f32 to vector<1x1xf32>
    %lt3A_89 = arith.cmpf olt, %broadcast_in_dim3A, %lt3A_88 : vector<1x1xf32>
    %neg3A_90 = arith.constant 0.000000e+00 : f32
    %neg3A_91 = vector.broadcast %neg3A_90 : f32 to vector<1x1xf32>
    %neg3A_92 = arith.subf %neg3A_91, %sub3A_86 : vector<1x1xf32>
    %select_n3A_93 = arith.select %lt3A_89, %neg3A_92, %sub3A_86 : vector<1x1xi1>, vector<1x1xf32>
    %lt3A_94 = arith.constant 6.10351563E-5 : f32
    %lt3A_95 = vector.broadcast %lt3A_94 : f32 to vector<1x1xf32>
    %lt3A_96 = arith.cmpf olt, %abs3A_80, %lt3A_95 : vector<1x1xf32>
    %select_n3A_97 = arith.select %lt3A_96, %select_n3A_93, %bitcast_convert_type3A_79 : vector<1x1xi1>, vector<1x1xf32>
    %swap3A_98 = arith.constant 0 : index
    %swap3A_99 = arith.constant 0 : index
    %swap3A_100 = vector.load %arg4[%swap3A_98, %swap3A_99] : memref<1x1xf32, #tpu.memory_space<vmem>>, vector<1x1xf32>
    tpu.vector_store %arg4[%swap3A_98, %swap3A_99], %select_n3A_97 {strides = array<i32>} : memref<1x1xf32, #tpu.memory_space<vmem>>, vector<1x1xf32>,
    return
  }
}

</mosaic_0001>

<sc_bundles>
// kernel: kernel.5.cloned.1.call-start
scs
__scs_entry_jumppad:
0x0: {  	(pc) =	sbr.rel $0x88, $3  }
0x1: {  	(tag) =	ssettag $0x0;
	lr =	simm.s32 $0x1  }
0x2: {  	[smem:$0x3F9E] =	sst lr;
	_ =	strace $0xD0000000  }
0x3: {  	_ = 	snop  }
0x4: {  	_ = 	snop  }
0x5: {  	_ = 	snop  }
0x6: {  	_ = 	snop  }
0x7: {  	_ = 	snop  }
__scs_overlays_trampoline_lowered:
0x8: {  	[smem:$0x3FAD] =	sst s0  }
0x9: {  	[smem:$0x3FAE] =	sst s1  }
0xa: {  	[smem:$0x3FAF] =	sst s2  }
0xb: {  	[smem:$0x3FB0] =	sst s3  }
0xc: {  	[smem:$0x3FB1] =	sst s4  }
0xd: {  	[smem:$0x3FB2] =	sst s5  }
0xe: {  	[smem:$0x3FB3] =	sst s6  }
0xf: {  	[smem:$0x3FB4] =	sst s7  }
0x10: {  	[smem:$0x3FB5] =	sst s8  }
0x11: {  	[smem:$0x3FB6] =	sst s9;
	s0 =	simm.s32 @!p0 $0x0  }
0x12: {  	s1 =	sld [smem:$0x3F9C];
	s0 =	simm.s32 @p0 $0x1  }
0x13: {  	[smem:$0x3FB7] =	sst s0;
	s0 =	simm.s32 @!p1 $0x0  }
0x14: {  	s2 =	sld [smem:$0x3F9B];
	s0 =	simm.s32 @p1 $0x1  }
0x15: {  	[smem:$0x3FB8] =	sst s0;
	s0 =	simm.s32 @!p2 $0x0  }
0x16: {  	s3 =	sld [smem:$0x3FDB];
	s0 =	simm.s32 @p2 $0x1  }
0x17: {  	s4 =	simm.s32 $0x1BF5;
	[smem:$0x3FBA] =	sst s0  }
0x18: {  	s0 =	sld [smem:$0x3F9D];
	_ =	swait.ge [sflag:s4], $0x0  }
0x19: {  	s7 =	sld [smem:$0x3F9E]  }
0x1a: {  	s8 =	sadd.s32 $0xFFFFE003, lr  }
0x1b: {  	s9 =	sadd.s32 $0xFFFFFEF7, lr;
	s5 =	simm.s32 $0xFFFFFFFF;
	p2 =	slt.u32 s8, $0xFFFFF086  }
0x1c: {  	p1 =	slt.u32 s9, $0xF7A;
	s5 =	simm.s32 @!p2 $0x0  }
0x1d: {  	s5 =	simm.s32 @p1 $0x1;
	p0 =	seq.s32 s7, s2  }
0x1e: {  	s7 =	smul.u32 @!p0 $0xF7A, s2;
	p2 =	seq.s32 @!p0 s5, $0x0  }
0x1f: {  	s9 =	smul.u32 $0xF7A, s1;
	s8 =	simm.s32 @!p0 $0x1BF5;
	p2 =	por !p2, p0  }
0x20: {  	[sflag:s8] =	ssyncset.s32 @!p0 $0xFFFFF086;
	s6 =	sadd.s32 @!p0 s3, s7;
	s7 =	simm.s32 @!p0 $0x108  }
0x21: {  	s3 =	sadd.s32 s3, s9;
	s6 =	sadd.s32 @!p0 $0x88, s6;
	s7 =	simm.s32 @p2 $0x1082  }
0x22: {  	[simem:s7], [sflag:s8] =	dma.local @!p0 [hbm:s6], $0xF7A  }
0x23: {  	s9 =	sor.u32 $0xD0000000, s2;
	s6 =	simm.s32 $0x108;
	_ =	swait.ge @!p0 [sflag:s8], $0x0  }
0x24: {  	s3 =	sadd.s32 $0x88, s3;
	s6 =	simm.s32 @!p1 $0x1082;
	[sflag:s4] =	ssyncset.s32 $0xFFFFF086  }
0x25: {  	[simem:s6], [sflag:s4] =	dma.local [hbm:s3], $0xF7A  }
0x26: {  	[smem:$0x3F9E] =	sst s1;
	(tag) =	ssettag s2;
	_ =	strace s9  }
0x27: {  	s1 =	sld [smem:$0x3FAE]  }
0x28: {  	s2 =	sld [smem:$0x3FAF]  }
0x29: {  	s4 =	sld [smem:$0x3FB1]  }
0x2a: {  	p0 =	seq.s32 s5, $0x0;
	s5 =	sld [smem:$0x3FB2]  }
0x2b: {  	s6 =	sld [smem:$0x3FB3]  }
0x2c: {  	s7 =	sld [smem:$0x3FB4]  }
0x2d: {  	s3 =	simm.s32 $0x108;
	s8 =	sld [smem:$0x3FB5]  }
0x2e: {  	s3 =	simm.s32 @!p0 $0x1082;
	s9 =	sld [smem:$0x3FB6]  }
0x2f: {  	lr =	sadd.s32 s0, s3;
	s0 =	sld [smem:$0x3FAD]  }
0x30: {  	s3 =	sld [smem:$0x3FB0]  }
0x31: {  	[smem:$0x3FB9] =	sst s10  }
0x32: {  	s10 =	sld [smem:$0x3FB7];
	_ =	sdelay $0x3  }
0x33: {  	p0 =	seq.s32 s10, $0x1;
	s10 =	sld [smem:$0x3FB9];
	_ =	sdelay $0x3  }
0x34: {  	[smem:$0x3FB9] =	sst s10  }
0x35: {  	s10 =	sld [smem:$0x3FB8];
	_ =	sdelay $0x3  }
0x36: {  	p1 =	seq.s32 s10, $0x1;
	s10 =	sld [smem:$0x3FB9];
	_ =	sdelay $0x3  }
0x37: {  	[smem:$0x3FB9] =	sst s10  }
0x38: {  	s10 =	sld [smem:$0x3FBA]  }
0x39: {  	_ = 	snop;
	(pc) =	sbr.ind lr, $3  }
0x3a: {  	_ = 	snop  }
0x3b: {  	_ = 	snop  }
0x3c: {  	p2 =	seq.s32 s10, $0x1;
	s10 =	sld [smem:$0x3FB9]  }
0x3d: {  	_ =	shalt  }
0x3e: {  	_ =	shalt  }
0x3f: {  	_ =	shalt  }
0x40: {  	_ =	shalt  }
0x41: {  	_ =	shalt  }
0x42: {  	_ =	shalt  }
0x43: {  	_ =	shalt  }
0x44: {  	_ =	shalt  }
0x45: {  	_ =	shalt  }
0x46: {  	_ =	shalt  }
0x47: {  	_ =	shalt  }
0x48: {  	_ =	shalt  }
0x49: {  	_ =	shalt  }
0x4a: {  	_ =	shalt  }
0x4b: {  	_ =	shalt  }
0x4c: {  	_ =	shalt  }
0x4d: {  	_ =	shalt  }
0x4e: {  	_ =	shalt  }
0x4f: {  	_ =	shalt  }
0x50: {  	_ =	shalt  }
0x51: {  	_ =	shalt  }
0x52: {  	_ =	shalt  }
0x53: {  	_ =	shalt  }
0x54: {  	_ =	shalt  }
0x55: {  	_ =	shalt  }
0x56: {  	_ =	shalt  }
0x57: {  	_ =	shalt  }
0x58: {  	_ =	shalt  }
0x59: {  	_ =	shalt  }
0x5a: {  	_ =	shalt  }
0x5b: {  	_ =	shalt  }
0x5c: {  	_ =	shalt  }
0x5d: {  	_ =	shalt  }
0x5e: {  	_ =	shalt  }
0x5f: {  	_ =	shalt  }
0x60: {  	_ =	shalt  }
0x61: {  	_ =	shalt  }
0x62: {  	_ =	shalt  }
0x63: {  	_ =	shalt  }
0x64: {  	_ =	shalt  }
0x65: {  	_ =	shalt  }
0x66: {  	_ =	shalt  }
0x67: {  	_ =	shalt  }
0x68: {  	_ =	shalt  }
0x69: {  	_ =	shalt  }
0x6a: {  	_ =	shalt  }
0x6b: {  	_ =	shalt  }
0x6c: {  	_ =	shalt  }
0x6d: {  	_ =	shalt  }
0x6e: {  	_ =	shalt  }
0x6f: {  	_ =	shalt  }
0x70: {  	_ =	shalt  }
0x71: {  	_ =	shalt  }
0x72: {  	_ =	shalt  }
0x73: {  	_ =	shalt  }
0x74: {  	_ =	shalt  }
0x75: {  	_ =	shalt  }
0x76: {  	_ =	shalt  }
0x77: {  	_ =	shalt  }
0x78: {  	_ =	shalt  }
0x79: {  	_ =	shalt  }
0x7a: {  	_ =	shalt  }
0x7b: {  	_ =	shalt  }
0x7c: {  	_ =	shalt  }
0x7d: {  	_ =	shalt  }
0x7e: {  	_ =	shalt  }
0x7f: {  	_ =	shalt  }
0x80: {  	_ =	shalt  }
0x81: {  	_ =	shalt  }
0x82: {  	_ =	shalt  }
0x83: {  	_ =	shalt  }
0x84: {  	_ =	shalt  }
0x85: {  	_ =	shalt  }
0x86: {  	_ =	shalt  }
0x87: {  	_ =	shalt  }
.Lfunc_end0:
.L_simem_size_0:
called_computation_lowered:
.L_overlay_start_0:
0x88: {  	s2 =	sld [smem:$0x3FD9]  }
0x89: {  	s3 =	sld [smem:$0x3FFE];
	_ =	sdelay $0x1  }
0x8a: {  	s1 =	srdreg.scid  }
0x8b: {  	s0 =	sand.u32 $0x1, s1  }
0x8c: {  	s17 =	sshll.u32 s0, $0xA;
	s2 =	sadd.s32 s3, s2  }
0x8d: {  	s2 =	sadd.s32 s2, s17  }
0x8e: {  	[smem:$0x3FC5] =	sst s2  }
0x8f: {  	_ = 	snop  }
0x90: {  	s2 =	sld [smem:$0x3FD0];
	(tm) =	ssettm $0x1  }
0x91: {  	s18 =	sld [smem:$0x3FFB];
	_ =	sdelay $0x3  }
0x92: {  	_ =	strace s18  }
0x93: {  	s3 =	sld [smem:$0x3FFC];
	_ =	sdelay $0x3  }
0x94: {  	_ =	strace s3  }
0x95: {  	s3 =	sld [smem:$0x3FFD];
	_ =	sdelay $0x3  }
0x96: {  	_ =	strace s3  }
0x97: {  	_ =	strace $0x8FFFFFFF  }
0x98: {  	s19 =	sld [smem:$0x3FDB];
	_ =	sdelay $0x1  }
0x99: {  	s4 =	simm.s32 $_scs_section_size  }
0x9a: {  	s5 =	simm.s32 $_size__tile_overlayer_lowered;
	s6 =	simm.s32 $_tile_overlayer_lowered  }
0x9b: {  	s22 =	simm.s32 $0x1BFF;
	s21 =	sshll.u32 s6, $0x1;
	s3 =	sadd.s32 s4, s19  }
0x9c: {  	s7 =	simm.s32 $0x0;
	s20 =	sshll.u32 s5, $0x1;
	s5 =	sadd.s32 s21, s3  }
0x9d: {  	[timem:s7], [sflag:s22] =	dma.local [hbm:s5], s20  }
0x9e: {  	_ =	swait.ge [sflag:s22], s20  }
0x9f: {  	s4 =	ssub.s32 $0x0, s20;
	[sflag:s22] =	ssyncset.done $0x0  }
0xa0: {  	[sflag:s22] =	ssyncadd.s32 s4;
	_ =	sdelay $0x1  }
0xa1: {  	s23 =	simm.s32 $0x1B8B  }
0xa2: {  	_ =	swait.ge [sflag:s23], $0x1  }
0xa3: {  	[sflag:s23] =	ssyncset.done $0x0  }
0xa4: {  	s25 =	simm.s32 $0x1B8E;
	s24 =	sld [smem:$0x3FFE];
	[sflag:s23] =	ssyncadd.s32 $0xFFFFFFFF  }
0xa5: {  	s26 =	simm.s32 $execute0_lowered;
	[smem:$0x3FD2] =	sst s25  }
0xa6: {  	s5 =	sshll.u32 s26, $0x1;
	_ =	strace $0x80000046;
	[dreg:$0x1] =	wrdreg $0xFFFFFFFF  }
0xa7: {  	s28 =	simm.s32 $_size_execute0_lowered;
	s3 =	sadd.s32 s3, s5;
	[dreg:$0x0] =	wrdreg $0x0  }
0xa8: {  	s5 =	sshll.u32 s28, $0x1;
	[dreg:$0x2] =	wrdreg s3  }
0xa9: {  	[dreg:$0x3] =	wrdreg s5  }
0xaa: {  	[dreg:$0x4] =	wrdreg $0xC0  }
0xab: {  	_ =	task [dreg:s7], $0x5FFFF  }
0xac: {  	[dreg:$0x1] =	wrdreg $0xFFFFFFFF  }
0xad: {  	[dreg:$0x0] =	wrdreg $0x60  }
0xae: {  	[dreg:$0x2] =	wrdreg s2  }
0xaf: {  	[dreg:$0x3] =	wrdreg s24  }
0xb0: {  	[dreg:$0x4] =	wrdreg $0x9  }
0xb1: {  	_ =	task.clear_ibuf [dreg:s7], $0x5FFFF;
	_ =	strace $0x90000046  }
0xb2: {  	s29 =	simm.s32 $0x9;
	_ =	strace $0x80000048  }
0xb3: {  	_ =	swait.ge [sflag:s29], $0x1  }
0xb4: {  	[sflag:s29] =	ssyncadd.s32 $0xFFFFFFFF  }
0xb5: {  	_ =	strace $0x90000048  }
0xb6: {  	_ =	sfence  }
0xb7: {  	s30 =	sld [smem:$0x0];
	_ =	sdelay $0x2  }
0xb8: {  	s31 =	sshll.u32 s1, $0xD;
	s1 =	sshrl.u32 s1, $0x2  }
0xb9: {  	s3 =	sand.u32 $0x4000, s31;
	s1 =	sadd.s32 s1, s30  }
0xba: {  	s0 =	sor.u32 s3, s0;
	s1 =	sshll.u32 s1, $0x11  }
0xbb: {  	s0 =	sor.u32 s1, s0  }
0xbc: {  	s0 =	sadd.s32 $0x8F2B, s0  }
0xbd: {  	[sflag:s0] =	ssyncadd.remote.s32 $0x1  }
0xbe: {  	_ =	sfence.sel $0xFFFF  }
0xbf: {  	[dreg:$0x0] =	wrdreg $0xFFFFFFFF;
	(pc) =	sbr.abs _section_cstart, $3  }
0xc0: {  	[dreg:$0x1] =	wrdreg $0xFFFFFFFF  }
0xc1: {  	_ =	task.clear_ibuf [dreg:s7], $0x2FFFF;
	_ =	strace $0x9FFFFFFF  }
0xc2: {  	(tm) =	ssettm $0x7FFFFFFF  }
0xc3: {  	_ =	shalt  }
tec
execute0_lowered:
.L_overlay_start_1:
0x0: {  	(tag) =	ssettag $0x1  }
0x1: {  	s1 =	srdreg.scid;
	s2 =	rddreg [dreg:$0x0]  }
0x2: {  	s0 =	stileid.u32;
	s4 =	rddreg [dreg:$0x1];
	s6 =	sand.u32 $0x1, s1  }
0x3: {  	s3 =	simm.s32 $0x0;
	s5 =	sshll.u32 s0, $0x3;
	s7 =	sshll.u32 s6, $0x2  }
0x4: {  	[smem:$0x7FF] =	sst s3;
	s5 =	sor.u32 s7, s5  }
0x5: {  	s1 =	rddreg [dreg:$0x2];
	_ =	strace $0x80000047;
	s9 =	sadd.s32 s5, s4  }
0x6: {  	s10 =	ssub.s32 $0x2, s6;
	s4 =	simm.s32 $0x2;
	s5 =	sadd.s32 $0x800, s9  }
0x7: {  	[tilespmem:s3], [sflag:$0x2] =	stream.linear.gather [hbm4b:s5+s3], $0x20, $0x38;
	[tilespmem:$0x100] =	vst v63  }
0x8: {  	s8 =	simm.s32 $0x1;
	s11 =	sshrl.u32 s10, $0x1;
	_ =	swait.ge [sflag:s4], $0x20  }
0x9: {  	s6 =	simm.s32 $0x20;
	s10 =	ssub.s32 s10, s11;
	[sflag:s4] =	ssyncset.done $0x0  }
0xa: {  	s7 =	simm.s32 $0x80;
	s10 =	smax.u32 s10, $0x1;
	[sflag:s4] =	ssyncadd.s32 $0xFFFFFFE0  }
0xb: {  	[tilespmem:s7], [sflag:$0x1] =	stream.indirect.gather [hbm4b:s2+s6], $0x1, s3, s6, $0xb8;
	[tilespmem:$0x100] =	vst v63  }
0xc: {  	p0 =	sne.s32 s10, $0x1;
	_ =	swait.ge [sflag:s8], $0x20  }
.Ltmp0:
0xd: {  	[sflag:s8] =	ssyncset.done $0x0;
	(pc) =	sbr.rel @!p0 .LBB2_2-.Ltmp0, $4  }
0xe: {  	s9 =	sadd.s32 $0xC38A00, s9;
	[sflag:s8] =	ssyncadd.s32 $0xFFFFFFE0  }
0xf: {  	[hbm4b:s9+s3] =	stream.linear.scatter [tilespmem:s7], [sflag:$0x2], $0x20, $0x38;
	[tilespmem:$0x100] =	vst v63  }
0x10: {  	_ =	swait.ge [sflag:s4], $0x20  }
0x11: {  	s10 =	sadd.s32 $0xFFFFFFFF, s10;
	[sflag:s4] =	ssyncset.done $0x0  }
.LBB2_1:
0x12: {  	p0 =	sne.s32 s10, $0x1;
	s10 =	sadd.s32 $0xFFFFFFFF, s10;
	[sflag:s4] =	ssyncadd.s32 $0xFFFFFFE0  }
0x13: {  	[tilespmem:s3], [sflag:$0x2] =	stream.linear.gather [hbm4b:s5+s3], $0x20, $0x38;
	[tilespmem:$0x100] =	vst v63  }
0x14: {  	_ =	swait.ge [sflag:s4], $0x20  }
0x15: {  	[sflag:s4] =	ssyncset.done $0x0  }
0x16: {  	[sflag:s4] =	ssyncadd.s32 $0xFFFFFFE0  }
0x17: {  	[tilespmem:s7], [sflag:$0x1] =	stream.indirect.gather [hbm4b:s2+s6], $0x1, s3, s6, $0xb8;
	[tilespmem:$0x100] =	vst v63  }
0x18: {  	_ =	swait.ge [sflag:s8], $0x20  }
.Ltmp1:
0x19: {  	[sflag:s8] =	ssyncset.done $0x0;
	(pc) =	sbr.rel @p0 .LBB2_1-.Ltmp1, $4  }
0x1a: {  	[sflag:s8] =	ssyncadd.s32 $0xFFFFFFE0  }
0x1b: {  	[hbm4b:s9+s3] =	stream.linear.scatter [tilespmem:s7], [sflag:$0x2], $0x20, $0x38;
	[tilespmem:$0x100] =	vst v63  }
0x1c: {  	_ =	swait.ge [sflag:s4], $0x20  }
0x1d: {  	[sflag:s4] =	ssyncset.done $0x0  }
.LBB2_2:
0x1e: {  	[sflag:s4] =	ssyncadd.s32 $0xFFFFFFE0  }
0x1f: {  	_ =	sfence.sel $0x180000  }
0x20: {  	[bflag:$0x0] =	sbarrier.arrive $0xFFFF  }
0x21: {  	p0 =	sne.s32 s0, $0x0;
	_ =	strace $0x90000047  }
0x22: {  	s0 =	sadd.s32 @!p0 $0x100000, s1;
	[bflag:$0x2] =	sbarrier.arrive $0xFFFF  }
0x23: {  	[sflag:s0] =	ssyncadd.tile.s32 @!p0 $0x1;
	_ =	shalt  }
.Lfunc_end2:
_tile_overlayer_lowered:
.L_overlay_start_2:
0x24: {  	(tag) =	ssettag $0x2  }
0x25: {  	s0 =	rddreg [dreg:$0x0];
	s2 =	stileid.u32  }
0x26: {  	s1 =	rddreg [dreg:$0x1];
	p0 =	sne.s32 s2, $0x0  }
0x27: {  	s3 =	rddreg [dreg:$0x2];
	[bflag:$0x3] =	sbarrier.arrive $0xFFFF;
	s2 =	simm.s32 @!p0 $0x1C02  }
0x28: {  	[timem:s3], [sflag:s2] =	dma.local @!p0 [hbm:s0], s1  }
0x29: {  	s0 =	simm.s32 @!p0 $0x2  }
0x2a: {  	_ =	swait.ge @!p0 [sflag:s0], s1  }
0x2b: {  	s1 =	ssub.s32 @!p0 $0x0, s1;
	[sflag:s0] =	ssyncset.done @!p0 $0x0  }
0x2c: {  	[sflag:s0] =	ssyncadd.s32 @!p0 s1  }
0x2d: {  	[bflag:$0x3] =	sbarrier.arrive $0xFFFF  }
0x2e: {  	_ =	shalt  }

</sc_bundles>
